<compile_context>
chip_gen: v7x
topology: tpu7x:2x2x1
jax: 0.10.2.dev20260603
libtpu: 0.0.44.dev20260713+nightly
codegen_flags: <defaults>
</compile_context>

<pallas_src>
import jax
import jax.numpy as jnp
from jax import lax
from jax.experimental import pallas as pl
from jax.experimental.pallas import tpu as pltpu
from jax.experimental.pallas import tpu_sc as plsc

DIM = 32
BATCH = 16384
_ROWS = 250000
_G = 128 // DIM

_NC = 2
_NS = 16
_NW = _NC * _NS
_BPW = BATCH // _NW
_CH = _BPW // 2

_TC_BLK = 2048


def _gather_kernel(u_hbm, i_hbm, p_hbm, q_hbm, gp_hbm, gq_hbm,
                   u_v, i_v, rp_v, rq_v, sem_p, sem_q):
    wid = lax.axis_index("s") * _NC + lax.axis_index("c")
    base = wid * _BPW

    pltpu.sync_copy(u_hbm.at[pl.ds(base, _BPW)], u_v)
    pltpu.sync_copy(i_hbm.at[pl.ds(base, _BPW)], i_v)

    for h in range(2):
        cp_p = pltpu.async_copy(
            p_hbm.at[u_v.at[pl.ds(h * _CH, _CH)]], rp_v, sem_p)
        cp_q = pltpu.async_copy(
            q_hbm.at[i_v.at[pl.ds(h * _CH, _CH)]], rq_v, sem_q)
        cp_p.wait()
        cp_q.wait()
        pltpu.sync_copy(rp_v, gp_hbm.at[pl.ds(base + h * _CH, _CH)])
        pltpu.sync_copy(rq_v, gq_hbm.at[pl.ds(base + h * _CH, _CH)])


def _dot_kernel(gp_ref, gq_ref, ohu_ref, ohi_ref, o_ref):
    pu = jnp.zeros((_TC_BLK, DIM), jnp.float32)
    qi = jnp.zeros((_TC_BLK, DIM), jnp.float32)
    for c in range(_G):
        sl = pl.ds(c * DIM, DIM)
        pu = pu + gp_ref[:, sl] * ohu_ref[:, c][:, None]
        qi = qi + gq_ref[:, sl] * ohi_ref[:, c][:, None]
    o_ref[...] = jnp.sum(pu * qi, axis=1)


def kernel(u, i, P, Q):
    p128 = jnp.reshape(P, (_ROWS, 128))
    q128 = jnp.reshape(Q, (_ROWS, 128))
    u4 = lax.shift_right_logical(u, 2)
    i4 = lax.shift_right_logical(i, 2)
    ohu = jnp.equal(
        (u & 3)[:, None], jnp.arange(_G, dtype=jnp.int32)[None, :]
    ).astype(jnp.float32)
    ohi = jnp.equal(
        (i & 3)[:, None], jnp.arange(_G, dtype=jnp.int32)[None, :]
    ).astype(jnp.float32)

    mesh = plsc.VectorSubcoreMesh(core_axis_name="c", subcore_axis_name="s")
    gathered = pl.kernel(
        _gather_kernel,
        mesh=mesh,
        out_type=[
            jax.ShapeDtypeStruct((BATCH, 128), jnp.float32),
            jax.ShapeDtypeStruct((BATCH, 128), jnp.float32),
        ],
        scratch_types=[
            pltpu.VMEM((_BPW,), jnp.int32),
            pltpu.VMEM((_BPW,), jnp.int32),
            pltpu.VMEM((_CH, 128), jnp.float32),
            pltpu.VMEM((_CH, 128), jnp.float32),
            pltpu.SemaphoreType.DMA,
            pltpu.SemaphoreType.DMA,
        ],
    )
    gp, gq = gathered(u4, i4, p128, q128)

    return pl.pallas_call(
        _dot_kernel,
        grid=(BATCH // _TC_BLK,),
        in_specs=[
            pl.BlockSpec((_TC_BLK, 128), lambda g: (g, 0)),
            pl.BlockSpec((_TC_BLK, 128), lambda g: (g, 0)),
            pl.BlockSpec((_TC_BLK, _G), lambda g: (g, 0)),
            pl.BlockSpec((_TC_BLK, _G), lambda g: (g, 0)),
        ],
        out_specs=pl.BlockSpec((_TC_BLK,), lambda g: (g,)),
        out_shape=jax.ShapeDtypeStruct((BATCH,), jnp.float32),
    )(gp, gq, ohu, ohi)

# --- scband reference (transcript-rebuilt; emitter-appended) ---
"""Pipeline reference for scband-mf-82343112999005 (READ-ONLY COPY).

The authoritative reference and input builder live on the scoring server;
editing this copy changes nothing except your own understanding.
"""

import jax, jax.numpy as jnp
import numpy as np

NUM_USERS = 1000000
NUM_ITEMS = 1000000
DIM = 32
BATCH = 16384

def setup_inputs(seed: int = 0) -> dict:
    key = jax.random.key(seed)
    k_u, k_i, k_p, k_q = jax.random.split(key, 4)
    u = jax.random.randint(k_u, (BATCH,), 0, NUM_USERS, dtype=jnp.int64 if jax.config.jax_enable_x64 else jnp.int32).astype(jnp.int32)
    i = jax.random.randint(k_i, (BATCH,), 0, NUM_ITEMS, dtype=jnp.int32)
    P = jax.random.normal(k_p, (NUM_USERS, DIM), dtype=jnp.float32) * 0.01
    Q = jax.random.normal(k_q, (NUM_ITEMS, DIM), dtype=jnp.float32) * 0.01
    return {"u": u, "i": i, "P": P, "Q": Q}

def reference(u, i, P, Q):
    # MF.score: (P(u) * Q(i)).sum(dim=-1)
    pu = jnp.take(P, u, axis=0)   # gather: [B, dim]
    qi = jnp.take(Q, i, axis=0)   # gather: [B, dim]
    return (pu * qi).sum(axis=-1)  # [B]

if __name__ == "__main__":
    import jax
    _d = setup_inputs()
    print(jax.jit(kernel)(*tuple(_d.values())))

</pallas_src>

<mosaic_0001>
#map = affine_map<(d0, d1) -> (0)>
#map1 = affine_map<(d0, d1) -> (0, 0)>
module attributes {stable_mosaic.version = 14 : i64} {
  func.func @_gather_kernel(%arg0: i32, %arg1: i32, %arg2: memref<16384xi32, #tpu.memory_space<hbm>>, %arg3: memref<16384xi32, #tpu.memory_space<hbm>>, %arg4: memref<250000x128xf32, #tpu.memory_space<hbm>>, %arg5: memref<250000x128xf32, #tpu.memory_space<hbm>>, %arg6: memref<16384x128xf32, #tpu.memory_space<hbm>>, %arg7: memref<16384x128xf32, #tpu.memory_space<hbm>>, %arg8: memref<512xi32, #tpu.memory_space<vmem>>, %arg9: memref<512xi32, #tpu.memory_space<vmem>>, %arg10: memref<256x128xf32, #tpu.memory_space<vmem>>, %arg11: memref<256x128xf32, #tpu.memory_space<vmem>>, %arg12: memref<!tpu.dma_semaphore, #tpu.memory_space<semaphore_mem>>, %arg13: memref<!tpu.dma_semaphore, #tpu.memory_space<semaphore_mem>>) attributes {dimension_semantics = [#tpu.dimension_semantics<core_parallel>, #tpu.dimension_semantics<subcore_parallel>], iteration_bounds = array<i64: 2, 16>, scalar_prefetch = 0 : i64, scratch_operands = 6 : i64, tpu.core_type = #tpu.core_type<sc_vector_subcore>, window_params = [{transform_indices = #map}, {transform_indices = #map}, {transform_indices = #map1}, {transform_indices = #map1}, {transform_indices = #map1}, {transform_indices = #map1}]} {
    %mul3A = arith.constant 2 : i32
    %mul3A_0 = arith.muli %arg1, %mul3A : i32
    %add3A = arith.addi %mul3A_0, %arg0 : i32
    %mul3A_1 = arith.constant 512 : i32
    %mul3A_2 = arith.muli %add3A, %mul3A_1 : i32
    "tpu.region"() ({
      %run_scoped3A = tpu.sem_alloc : memref<!tpu.dma_semaphore, #tpu.memory_space<semaphore_mem>>
      %dma_start3A_49 = tpu.memref_slice %arg2[%mul3A_2] : memref<16384xi32, #tpu.memory_space<hbm>> -> memref<512xi32, #tpu.memory_space<hbm>>
      %dma_start3A_50 = tpu.memref_slice %arg2[%mul3A_2] : memref<16384xi32, #tpu.memory_space<hbm>> -> memref<512xi32, #tpu.memory_space<hbm>>
      tpu.enqueue_dma source(%dma_start3A_50 : memref<512xi32, #tpu.memory_space<hbm>>) target(%arg8 : memref<512xi32, #tpu.memory_space<vmem>>) target_semaphore(%run_scoped3A : memref<!tpu.dma_semaphore, #tpu.memory_space<semaphore_mem>>)
      %dma_wait3A_51 = tpu.memref_slice %arg2[%mul3A_2] : memref<16384xi32, #tpu.memory_space<hbm>> -> memref<512xi32, #tpu.memory_space<hbm>>
      %dma_wait3A_52 = tpu.memref_slice %arg2[%mul3A_2] : memref<16384xi32, #tpu.memory_space<hbm>> -> memref<512xi32, #tpu.memory_space<hbm>>
      tpu.wait_dma2 semaphore(%run_scoped3A : memref<!tpu.dma_semaphore, #tpu.memory_space<semaphore_mem>>) src(%dma_wait3A_52 : memref<512xi32, #tpu.memory_space<hbm>>) dst(%arg8 : memref<512xi32, #tpu.memory_space<vmem>>)
      tpu.yield
    }) : () -> ()
    "tpu.region"() ({
      %run_scoped3A = tpu.sem_alloc : memref<!tpu.dma_semaphore, #tpu.memory_space<semaphore_mem>>
      %dma_start3A_49 = tpu.memref_slice %arg3[%mul3A_2] : memref<16384xi32, #tpu.memory_space<hbm>> -> memref<512xi32, #tpu.memory_space<hbm>>
      %dma_start3A_50 = tpu.memref_slice %arg3[%mul3A_2] : memref<16384xi32, #tpu.memory_space<hbm>> -> memref<512xi32, #tpu.memory_space<hbm>>
      tpu.enqueue_dma source(%dma_start3A_50 : memref<512xi32, #tpu.memory_space<hbm>>) target(%arg9 : memref<512xi32, #tpu.memory_space<vmem>>) target_semaphore(%run_scoped3A : memref<!tpu.dma_semaphore, #tpu.memory_space<semaphore_mem>>)
      %dma_wait3A_51 = tpu.memref_slice %arg3[%mul3A_2] : memref<16384xi32, #tpu.memory_space<hbm>> -> memref<512xi32, #tpu.memory_space<hbm>>
      %dma_wait3A_52 = tpu.memref_slice %arg3[%mul3A_2] : memref<16384xi32, #tpu.memory_space<hbm>> -> memref<512xi32, #tpu.memory_space<hbm>>
      tpu.wait_dma2 semaphore(%run_scoped3A : memref<!tpu.dma_semaphore, #tpu.memory_space<semaphore_mem>>) src(%dma_wait3A_52 : memref<512xi32, #tpu.memory_space<hbm>>) dst(%arg9 : memref<512xi32, #tpu.memory_space<vmem>>)
      tpu.yield
    }) : () -> ()
    %dma_start3A = arith.constant 0 : i32
    %dma_start3A_3 = tpu.memref_slice %arg8[%dma_start3A] : memref<512xi32, #tpu.memory_space<vmem>> -> memref<256xi32, #tpu.memory_space<vmem>>
    %dma_start3A_4 = arith.constant 0 : i32
    %dma_start3A_5 = arith.constant 0 : i32
    %dma_start3A_6 = tpu.memref_slice %arg4[%dma_start3A_4, %dma_start3A_5] : memref<250000x128xf32, #tpu.memory_space<hbm>> -> memref<250000x128xf32, #tpu.memory_space<hbm>>
    tpu.enqueue_indirect_dma source(%dma_start3A_6 : memref<250000x128xf32, #tpu.memory_space<hbm>>) target(%arg10 : memref<256x128xf32, #tpu.memory_space<vmem>>) offsets(%dma_start3A_3 : memref<256xi32, #tpu.memory_space<vmem>>) semaphore(%arg12 : memref<!tpu.dma_semaphore, #tpu.memory_space<semaphore_mem>>)
    %dma_start3A_7 = arith.constant 0 : i32
    %dma_start3A_8 = tpu.memref_slice %arg9[%dma_start3A_7] : memref<512xi32, #tpu.memory_space<vmem>> -> memref<256xi32, #tpu.memory_space<vmem>>
    %dma_start3A_9 = arith.constant 0 : i32
    %dma_start3A_10 = arith.constant 0 : i32
    %dma_start3A_11 = tpu.memref_slice %arg5[%dma_start3A_9, %dma_start3A_10] : memref<250000x128xf32, #tpu.memory_space<hbm>> -> memref<250000x128xf32, #tpu.memory_space<hbm>>
    tpu.enqueue_indirect_dma source(%dma_start3A_11 : memref<250000x128xf32, #tpu.memory_space<hbm>>) target(%arg11 : memref<256x128xf32, #tpu.memory_space<vmem>>) offsets(%dma_start3A_8 : memref<256xi32, #tpu.memory_space<vmem>>) semaphore(%arg13 : memref<!tpu.dma_semaphore, #tpu.memory_space<semaphore_mem>>)
    %dma_wait3A = arith.constant 0 : i32
    %dma_wait3A_12 = tpu.memref_slice %arg8[%dma_wait3A] : memref<512xi32, #tpu.memory_space<vmem>> -> memref<256xi32, #tpu.memory_space<vmem>>
    %dma_wait3A_13 = arith.constant 0 : i32
    %dma_wait3A_14 = arith.constant 0 : i32
    %dma_wait3A_15 = tpu.memref_slice %arg4[%dma_wait3A_13, %dma_wait3A_14] : memref<250000x128xf32, #tpu.memory_space<hbm>> -> memref<250000x128xf32, #tpu.memory_space<hbm>>
    tpu.wait_indirect_dma semaphore(%arg12 : memref<!tpu.dma_semaphore, #tpu.memory_space<semaphore_mem>>) src(%dma_wait3A_15 : memref<250000x128xf32, #tpu.memory_space<hbm>>) dst(%arg10 : memref<256x128xf32, #tpu.memory_space<vmem>>)
    %dma_wait3A_16 = arith.constant 0 : i32
    %dma_wait3A_17 = tpu.memref_slice %arg9[%dma_wait3A_16] : memref<512xi32, #tpu.memory_space<vmem>> -> memref<256xi32, #tpu.memory_space<vmem>>
    %dma_wait3A_18 = arith.constant 0 : i32
    %dma_wait3A_19 = arith.constant 0 : i32
    %dma_wait3A_20 = tpu.memref_slice %arg5[%dma_wait3A_18, %dma_wait3A_19] : memref<250000x128xf32, #tpu.memory_space<hbm>> -> memref<250000x128xf32, #tpu.memory_space<hbm>>
    tpu.wait_indirect_dma semaphore(%arg13 : memref<!tpu.dma_semaphore, #tpu.memory_space<semaphore_mem>>) src(%dma_wait3A_20 : memref<250000x128xf32, #tpu.memory_space<hbm>>) dst(%arg11 : memref<256x128xf32, #tpu.memory_space<vmem>>)
    %add3A_21 = arith.constant 0 : i32
    %add3A_22 = arith.addi %mul3A_2, %add3A_21 : i32
    "tpu.region"() ({
      %run_scoped3A = tpu.sem_alloc : memref<!tpu.dma_semaphore, #tpu.memory_space<semaphore_mem>>
      %dma_start3A_49 = arith.constant 0 : i32
      %dma_start3A_50 = tpu.memref_slice %arg6[%add3A_22, %dma_start3A_49] : memref<16384x128xf32, #tpu.memory_space<hbm>> -> memref<256x128xf32, #tpu.memory_space<hbm>>
      %dma_start3A_51 = arith.constant 0 : i32
      %dma_start3A_52 = tpu.memref_slice %arg6[%add3A_22, %dma_start3A_51] : memref<16384x128xf32, #tpu.memory_space<hbm>> -> memref<256x128xf32, #tpu.memory_space<hbm>>
      tpu.enqueue_dma source(%arg10 : memref<256x128xf32, #tpu.memory_space<vmem>>) target(%dma_start3A_52 : memref<256x128xf32, #tpu.memory_space<hbm>>) target_semaphore(%run_scoped3A : memref<!tpu.dma_semaphore, #tpu.memory_space<semaphore_mem>>)
      %dma_wait3A_53 = arith.constant 0 : i32
      %dma_wait3A_54 = tpu.memref_slice %arg6[%add3A_22, %dma_wait3A_53] : memref<16384x128xf32, #tpu.memory_space<hbm>> -> memref<256x128xf32, #tpu.memory_space<hbm>>
      %dma_wait3A_55 = arith.constant 0 : i32
      %dma_wait3A_56 = tpu.memref_slice %arg6[%add3A_22, %dma_wait3A_55] : memref<16384x128xf32, #tpu.memory_space<hbm>> -> memref<256x128xf32, #tpu.memory_space<hbm>>
      tpu.wait_dma2 semaphore(%run_scoped3A : memref<!tpu.dma_semaphore, #tpu.memory_space<semaphore_mem>>) src(%arg10 : memref<256x128xf32, #tpu.memory_space<vmem>>) dst(%dma_wait3A_56 : memref<256x128xf32, #tpu.memory_space<hbm>>)
      tpu.yield
    }) : () -> ()
    %add3A_23 = arith.constant 0 : i32
    %add3A_24 = arith.addi %mul3A_2, %add3A_23 : i32
    "tpu.region"() ({
      %run_scoped3A = tpu.sem_alloc : memref<!tpu.dma_semaphore, #tpu.memory_space<semaphore_mem>>
      %dma_start3A_49 = arith.constant 0 : i32
      %dma_start3A_50 = tpu.memref_slice %arg7[%add3A_24, %dma_start3A_49] : memref<16384x128xf32, #tpu.memory_space<hbm>> -> memref<256x128xf32, #tpu.memory_space<hbm>>
      %dma_start3A_51 = arith.constant 0 : i32
      %dma_start3A_52 = tpu.memref_slice %arg7[%add3A_24, %dma_start3A_51] : memref<16384x128xf32, #tpu.memory_space<hbm>> -> memref<256x128xf32, #tpu.memory_space<hbm>>
      tpu.enqueue_dma source(%arg11 : memref<256x128xf32, #tpu.memory_space<vmem>>) target(%dma_start3A_52 : memref<256x128xf32, #tpu.memory_space<hbm>>) target_semaphore(%run_scoped3A : memref<!tpu.dma_semaphore, #tpu.memory_space<semaphore_mem>>)
      %dma_wait3A_53 = arith.constant 0 : i32
      %dma_wait3A_54 = tpu.memref_slice %arg7[%add3A_24, %dma_wait3A_53] : memref<16384x128xf32, #tpu.memory_space<hbm>> -> memref<256x128xf32, #tpu.memory_space<hbm>>
      %dma_wait3A_55 = arith.constant 0 : i32
      %dma_wait3A_56 = tpu.memref_slice %arg7[%add3A_24, %dma_wait3A_55] : memref<16384x128xf32, #tpu.memory_space<hbm>> -> memref<256x128xf32, #tpu.memory_space<hbm>>
      tpu.wait_dma2 semaphore(%run_scoped3A : memref<!tpu.dma_semaphore, #tpu.memory_space<semaphore_mem>>) src(%arg11 : memref<256x128xf32, #tpu.memory_space<vmem>>) dst(%dma_wait3A_56 : memref<256x128xf32, #tpu.memory_space<hbm>>)
      tpu.yield
    }) : () -> ()
    %dma_start3A_25 = arith.constant 256 : i32
    %dma_start3A_26 = tpu.memref_slice %arg8[%dma_start3A_25] : memref<512xi32, #tpu.memory_space<vmem>> -> memref<256xi32, #tpu.memory_space<vmem>>
    %dma_start3A_27 = arith.constant 0 : i32
    %dma_start3A_28 = arith.constant 0 : i32
    %dma_start3A_29 = tpu.memref_slice %arg4[%dma_start3A_27, %dma_start3A_28] : memref<250000x128xf32, #tpu.memory_space<hbm>> -> memref<250000x128xf32, #tpu.memory_space<hbm>>
    tpu.enqueue_indirect_dma source(%dma_start3A_29 : memref<250000x128xf32, #tpu.memory_space<hbm>>) target(%arg10 : memref<256x128xf32, #tpu.memory_space<vmem>>) offsets(%dma_start3A_26 : memref<256xi32, #tpu.memory_space<vmem>>) semaphore(%arg12 : memref<!tpu.dma_semaphore, #tpu.memory_space<semaphore_mem>>)
    %dma_start3A_30 = arith.constant 256 : i32
    %dma_start3A_31 = tpu.memref_slice %arg9[%dma_start3A_30] : memref<512xi32, #tpu.memory_space<vmem>> -> memref<256xi32, #tpu.memory_space<vmem>>
    %dma_start3A_32 = arith.constant 0 : i32
    %dma_start3A_33 = arith.constant 0 : i32
    %dma_start3A_34 = tpu.memref_slice %arg5[%dma_start3A_32, %dma_start3A_33] : memref<250000x128xf32, #tpu.memory_space<hbm>> -> memref<250000x128xf32, #tpu.memory_space<hbm>>
    tpu.enqueue_indirect_dma source(%dma_start3A_34 : memref<250000x128xf32, #tpu.memory_space<hbm>>) target(%arg11 : memref<256x128xf32, #tpu.memory_space<vmem>>) offsets(%dma_start3A_31 : memref<256xi32, #tpu.memory_space<vmem>>) semaphore(%arg13 : memref<!tpu.dma_semaphore, #tpu.memory_space<semaphore_mem>>)
    %dma_wait3A_35 = arith.constant 256 : i32
    %dma_wait3A_36 = tpu.memref_slice %arg8[%dma_wait3A_35] : memref<512xi32, #tpu.memory_space<vmem>> -> memref<256xi32, #tpu.memory_space<vmem>>
    %dma_wait3A_37 = arith.constant 0 : i32
    %dma_wait3A_38 = arith.constant 0 : i32
    %dma_wait3A_39 = tpu.memref_slice %arg4[%dma_wait3A_37, %dma_wait3A_38] : memref<250000x128xf32, #tpu.memory_space<hbm>> -> memref<250000x128xf32, #tpu.memory_space<hbm>>
    tpu.wait_indirect_dma semaphore(%arg12 : memref<!tpu.dma_semaphore, #tpu.memory_space<semaphore_mem>>) src(%dma_wait3A_39 : memref<250000x128xf32, #tpu.memory_space<hbm>>) dst(%arg10 : memref<256x128xf32, #tpu.memory_space<vmem>>)
    %dma_wait3A_40 = arith.constant 256 : i32
    %dma_wait3A_41 = tpu.memref_slice %arg9[%dma_wait3A_40] : memref<512xi32, #tpu.memory_space<vmem>> -> memref<256xi32, #tpu.memory_space<vmem>>
    %dma_wait3A_42 = arith.constant 0 : i32
    %dma_wait3A_43 = arith.constant 0 : i32
    %dma_wait3A_44 = tpu.memref_slice %arg5[%dma_wait3A_42, %dma_wait3A_43] : memref<250000x128xf32, #tpu.memory_space<hbm>> -> memref<250000x128xf32, #tpu.memory_space<hbm>>
    tpu.wait_indirect_dma semaphore(%arg13 : memref<!tpu.dma_semaphore, #tpu.memory_space<semaphore_mem>>) src(%dma_wait3A_44 : memref<250000x128xf32, #tpu.memory_space<hbm>>) dst(%arg11 : memref<256x128xf32, #tpu.memory_space<vmem>>)
    %add3A_45 = arith.constant 256 : i32
    %add3A_46 = arith.addi %mul3A_2, %add3A_45 : i32
    "tpu.region"() ({
      %run_scoped3A = tpu.sem_alloc : memref<!tpu.dma_semaphore, #tpu.memory_space<semaphore_mem>>
      %dma_start3A_49 = arith.constant 0 : i32
      %dma_start3A_50 = tpu.memref_slice %arg6[%add3A_46, %dma_start3A_49] : memref<16384x128xf32, #tpu.memory_space<hbm>> -> memref<256x128xf32, #tpu.memory_space<hbm>>
      %dma_start3A_51 = arith.constant 0 : i32
      %dma_start3A_52 = tpu.memref_slice %arg6[%add3A_46, %dma_start3A_51] : memref<16384x128xf32, #tpu.memory_space<hbm>> -> memref<256x128xf32, #tpu.memory_space<hbm>>
      tpu.enqueue_dma source(%arg10 : memref<256x128xf32, #tpu.memory_space<vmem>>) target(%dma_start3A_52 : memref<256x128xf32, #tpu.memory_space<hbm>>) target_semaphore(%run_scoped3A : memref<!tpu.dma_semaphore, #tpu.memory_space<semaphore_mem>>)
      %dma_wait3A_53 = arith.constant 0 : i32
      %dma_wait3A_54 = tpu.memref_slice %arg6[%add3A_46, %dma_wait3A_53] : memref<16384x128xf32, #tpu.memory_space<hbm>> -> memref<256x128xf32, #tpu.memory_space<hbm>>
      %dma_wait3A_55 = arith.constant 0 : i32
      %dma_wait3A_56 = tpu.memref_slice %arg6[%add3A_46, %dma_wait3A_55] : memref<16384x128xf32, #tpu.memory_space<hbm>> -> memref<256x128xf32, #tpu.memory_space<hbm>>
      tpu.wait_dma2 semaphore(%run_scoped3A : memref<!tpu.dma_semaphore, #tpu.memory_space<semaphore_mem>>) src(%arg10 : memref<256x128xf32, #tpu.memory_space<vmem>>) dst(%dma_wait3A_56 : memref<256x128xf32, #tpu.memory_space<hbm>>)
      tpu.yield
    }) : () -> ()
    %add3A_47 = arith.constant 256 : i32
    %add3A_48 = arith.addi %mul3A_2, %add3A_47 : i32
    "tpu.region"() ({
      %run_scoped3A = tpu.sem_alloc : memref<!tpu.dma_semaphore, #tpu.memory_space<semaphore_mem>>
      %dma_start3A_49 = arith.constant 0 : i32
      %dma_start3A_50 = tpu.memref_slice %arg7[%add3A_48, %dma_start3A_49] : memref<16384x128xf32, #tpu.memory_space<hbm>> -> memref<256x128xf32, #tpu.memory_space<hbm>>
      %dma_start3A_51 = arith.constant 0 : i32
      %dma_start3A_52 = tpu.memref_slice %arg7[%add3A_48, %dma_start3A_51] : memref<16384x128xf32, #tpu.memory_space<hbm>> -> memref<256x128xf32, #tpu.memory_space<hbm>>
      tpu.enqueue_dma source(%arg11 : memref<256x128xf32, #tpu.memory_space<vmem>>) target(%dma_start3A_52 : memref<256x128xf32, #tpu.memory_space<hbm>>) target_semaphore(%run_scoped3A : memref<!tpu.dma_semaphore, #tpu.memory_space<semaphore_mem>>)
      %dma_wait3A_53 = arith.constant 0 : i32
      %dma_wait3A_54 = tpu.memref_slice %arg7[%add3A_48, %dma_wait3A_53] : memref<16384x128xf32, #tpu.memory_space<hbm>> -> memref<256x128xf32, #tpu.memory_space<hbm>>
      %dma_wait3A_55 = arith.constant 0 : i32
      %dma_wait3A_56 = tpu.memref_slice %arg7[%add3A_48, %dma_wait3A_55] : memref<16384x128xf32, #tpu.memory_space<hbm>> -> memref<256x128xf32, #tpu.memory_space<hbm>>
      tpu.wait_dma2 semaphore(%run_scoped3A : memref<!tpu.dma_semaphore, #tpu.memory_space<semaphore_mem>>) src(%arg11 : memref<256x128xf32, #tpu.memory_space<vmem>>) dst(%dma_wait3A_56 : memref<256x128xf32, #tpu.memory_space<hbm>>)
      tpu.yield
    }) : () -> ()
    return
  }
}

module attributes {stable_mosaic.version = 14 : i64} {
  func.func @_dot_kernel(%arg0: i32, %arg1: memref<2048x128xf32, #tpu.memory_space<vmem>>, %arg2: memref<2048x128xf32, #tpu.memory_space<vmem>>, %arg3: memref<2048x4xf32, #tpu.memory_space<vmem>>, %arg4: memref<2048x4xf32, #tpu.memory_space<vmem>>, %arg5: memref<2048xf32, #tpu.memory_space<vmem>>) attributes {dimension_semantics = [#tpu.dimension_semantics<arbitrary>], iteration_bounds = array<i64: 8>, scalar_prefetch = 0 : i64, scratch_operands = 0 : i64, tpu.core_type = #tpu.core_type<tc>, window_params = [{transform_indices = @transform_0, window_bounds = array<i64: 2048, 128>}, {transform_indices = @transform_1, window_bounds = array<i64: 2048, 128>}, {transform_indices = @transform_2, window_bounds = array<i64: 2048, 4>}, {transform_indices = @transform_3, window_bounds = array<i64: 2048, 4>}, {transform_indices = @transform_4, window_bounds = array<i64: 2048>}]} {
    %broadcast_in_dim3A = arith.constant 0.000000e+00 : f32
    %broadcast_in_dim3A_0 = vector.broadcast %broadcast_in_dim3A : f32 to vector<2048x32xf32>
    %broadcast_in_dim3A_1 = arith.constant 0.000000e+00 : f32
    %broadcast_in_dim3A_2 = vector.broadcast %broadcast_in_dim3A_1 : f32 to vector<2048x32xf32>
    %get3A = arith.constant 0 : index
    %get3A_3 = arith.constant 0 : index
    %get3A_4 = vector.load %arg1[%get3A, %get3A_3] : memref<2048x128xf32, #tpu.memory_space<vmem>>, vector<2048x32xf32>
    %get3A_5 = arith.constant 0 : index
    %get3A_6 = arith.constant 0 : index
    %get3A_7 = vector.load %arg3[%get3A_5, %get3A_6] : memref<2048x4xf32, #tpu.memory_space<vmem>>, vector<2048x1xf32>
    %get3A_8 = vector.shape_cast %get3A_7 : vector<2048x1xf32> to vector<2048xf32>
    %broadcast_in_dim3A_9 = vector.shape_cast %get3A_8 : vector<2048xf32> to vector<2048x1xf32>
    %mul3A = vector.broadcast %broadcast_in_dim3A_9 : vector<2048x1xf32> to vector<2048x32xf32>
    %mul3A_10 = arith.mulf %get3A_4, %mul3A : vector<2048x32xf32>
    %add3A = arith.addf %broadcast_in_dim3A_0, %mul3A_10 : vector<2048x32xf32>
    %get3A_11 = arith.constant 0 : index
    %get3A_12 = arith.constant 0 : index
    %get3A_13 = vector.load %arg2[%get3A_11, %get3A_12] : memref<2048x128xf32, #tpu.memory_space<vmem>>, vector<2048x32xf32>
    %get3A_14 = arith.constant 0 : index
    %get3A_15 = arith.constant 0 : index
    %get3A_16 = vector.load %arg4[%get3A_14, %get3A_15] : memref<2048x4xf32, #tpu.memory_space<vmem>>, vector<2048x1xf32>
    %get3A_17 = vector.shape_cast %get3A_16 : vector<2048x1xf32> to vector<2048xf32>
    %broadcast_in_dim3A_18 = vector.shape_cast %get3A_17 : vector<2048xf32> to vector<2048x1xf32>
    %mul3A_19 = vector.broadcast %broadcast_in_dim3A_18 : vector<2048x1xf32> to vector<2048x32xf32>
    %mul3A_20 = arith.mulf %get3A_13, %mul3A_19 : vector<2048x32xf32>
    %add3A_21 = arith.addf %broadcast_in_dim3A_2, %mul3A_20 : vector<2048x32xf32>
    %get3A_22 = arith.constant 0 : index
    %get3A_23 = arith.constant 32 : index
    %get3A_24 = vector.load %arg1[%get3A_22, %get3A_23] : memref<2048x128xf32, #tpu.memory_space<vmem>>, vector<2048x32xf32>
    %get3A_25 = arith.constant 0 : index
    %get3A_26 = arith.constant 1 : index
    %get3A_27 = vector.load %arg3[%get3A_25, %get3A_26] : memref<2048x4xf32, #tpu.memory_space<vmem>>, vector<2048x1xf32>
    %get3A_28 = vector.shape_cast %get3A_27 : vector<2048x1xf32> to vector<2048xf32>
    %broadcast_in_dim3A_29 = vector.shape_cast %get3A_28 : vector<2048xf32> to vector<2048x1xf32>
    %mul3A_30 = vector.broadcast %broadcast_in_dim3A_29 : vector<2048x1xf32> to vector<2048x32xf32>
    %mul3A_31 = arith.mulf %get3A_24, %mul3A_30 : vector<2048x32xf32>
    %add3A_32 = arith.addf %add3A, %mul3A_31 : vector<2048x32xf32>
    %get3A_33 = arith.constant 0 : index
    %get3A_34 = arith.constant 32 : index
    %get3A_35 = vector.load %arg2[%get3A_33, %get3A_34] : memref<2048x128xf32, #tpu.memory_space<vmem>>, vector<2048x32xf32>
    %get3A_36 = arith.constant 0 : index
    %get3A_37 = arith.constant 1 : index
    %get3A_38 = vector.load %arg4[%get3A_36, %get3A_37] : memref<2048x4xf32, #tpu.memory_space<vmem>>, vector<2048x1xf32>
    %get3A_39 = vector.shape_cast %get3A_38 : vector<2048x1xf32> to vector<2048xf32>
    %broadcast_in_dim3A_40 = vector.shape_cast %get3A_39 : vector<2048xf32> to vector<2048x1xf32>
    %mul3A_41 = vector.broadcast %broadcast_in_dim3A_40 : vector<2048x1xf32> to vector<2048x32xf32>
    %mul3A_42 = arith.mulf %get3A_35, %mul3A_41 : vector<2048x32xf32>
    %add3A_43 = arith.addf %add3A_21, %mul3A_42 : vector<2048x32xf32>
    %get3A_44 = arith.constant 0 : index
    %get3A_45 = arith.constant 64 : index
    %get3A_46 = vector.load %arg1[%get3A_44, %get3A_45] : memref<2048x128xf32, #tpu.memory_space<vmem>>, vector<2048x32xf32>
    %get3A_47 = arith.constant 0 : index
    %get3A_48 = arith.constant 2 : index
    %get3A_49 = vector.load %arg3[%get3A_47, %get3A_48] : memref<2048x4xf32, #tpu.memory_space<vmem>>, vector<2048x1xf32>
    %get3A_50 = vector.shape_cast %get3A_49 : vector<2048x1xf32> to vector<2048xf32>
    %broadcast_in_dim3A_51 = vector.shape_cast %get3A_50 : vector<2048xf32> to vector<2048x1xf32>
    %mul3A_52 = vector.broadcast %broadcast_in_dim3A_51 : vector<2048x1xf32> to vector<2048x32xf32>
    %mul3A_53 = arith.mulf %get3A_46, %mul3A_52 : vector<2048x32xf32>
    %add3A_54 = arith.addf %add3A_32, %mul3A_53 : vector<2048x32xf32>
    %get3A_55 = arith.constant 0 : index
    %get3A_56 = arith.constant 64 : index
    %get3A_57 = vector.load %arg2[%get3A_55, %get3A_56] : memref<2048x128xf32, #tpu.memory_space<vmem>>, vector<2048x32xf32>
    %get3A_58 = arith.constant 0 : index
    %get3A_59 = arith.constant 2 : index
    %get3A_60 = vector.load %arg4[%get3A_58, %get3A_59] : memref<2048x4xf32, #tpu.memory_space<vmem>>, vector<2048x1xf32>
    %get3A_61 = vector.shape_cast %get3A_60 : vector<2048x1xf32> to vector<2048xf32>
    %broadcast_in_dim3A_62 = vector.shape_cast %get3A_61 : vector<2048xf32> to vector<2048x1xf32>
    %mul3A_63 = vector.broadcast %broadcast_in_dim3A_62 : vector<2048x1xf32> to vector<2048x32xf32>
    %mul3A_64 = arith.mulf %get3A_57, %mul3A_63 : vector<2048x32xf32>
    %add3A_65 = arith.addf %add3A_43, %mul3A_64 : vector<2048x32xf32>
    %get3A_66 = arith.constant 0 : index
    %get3A_67 = arith.constant 96 : index
    %get3A_68 = vector.load %arg1[%get3A_66, %get3A_67] : memref<2048x128xf32, #tpu.memory_space<vmem>>, vector<2048x32xf32>
    %get3A_69 = arith.constant 0 : index
    %get3A_70 = arith.constant 3 : index
    %get3A_71 = vector.load %arg3[%get3A_69, %get3A_70] : memref<2048x4xf32, #tpu.memory_space<vmem>>, vector<2048x1xf32>
    %get3A_72 = vector.shape_cast %get3A_71 : vector<2048x1xf32> to vector<2048xf32>
    %broadcast_in_dim3A_73 = vector.shape_cast %get3A_72 : vector<2048xf32> to vector<2048x1xf32>
    %mul3A_74 = vector.broadcast %broadcast_in_dim3A_73 : vector<2048x1xf32> to vector<2048x32xf32>
    %mul3A_75 = arith.mulf %get3A_68, %mul3A_74 : vector<2048x32xf32>
    %add3A_76 = arith.addf %add3A_54, %mul3A_75 : vector<2048x32xf32>
    %get3A_77 = arith.constant 0 : index
    %get3A_78 = arith.constant 96 : index
    %get3A_79 = vector.load %arg2[%get3A_77, %get3A_78] : memref<2048x128xf32, #tpu.memory_space<vmem>>, vector<2048x32xf32>
    %get3A_80 = arith.constant 0 : index
    %get3A_81 = arith.constant 3 : index
    %get3A_82 = vector.load %arg4[%get3A_80, %get3A_81] : memref<2048x4xf32, #tpu.memory_space<vmem>>, vector<2048x1xf32>
    %get3A_83 = vector.shape_cast %get3A_82 : vector<2048x1xf32> to vector<2048xf32>
    %broadcast_in_dim3A_84 = vector.shape_cast %get3A_83 : vector<2048xf32> to vector<2048x1xf32>
    %mul3A_85 = vector.broadcast %broadcast_in_dim3A_84 : vector<2048x1xf32> to vector<2048x32xf32>
    %mul3A_86 = arith.mulf %get3A_79, %mul3A_85 : vector<2048x32xf32>
    %add3A_87 = arith.addf %add3A_65, %mul3A_86 : vector<2048x32xf32>
    %mul3A_88 = arith.mulf %add3A_76, %add3A_87 : vector<2048x32xf32>
    %reduce_sum3A = arith.constant dense<0.000000e+00> : vector<2048xf32>
    %reduce_sum3A_89 = vector.multi_reduction <add>, %mul3A_88, %reduce_sum3A [1] : vector<2048x32xf32> to vector<2048xf32>
    %swap3A = arith.constant 0 : index
    %swap3A_90 = vector.load %arg5[%swap3A] : memref<2048xf32, #tpu.memory_space<vmem>>, vector<2048xf32>
    tpu.vector_store %arg5[%swap3A], %reduce_sum3A_89 {strides = array<i32>} : memref<2048xf32, #tpu.memory_space<vmem>>, vector<2048xf32>,
    return
  }
  func.func @transform_0(%arg0: i32) -> (i32, i32) {
    %c0_i32 = arith.constant 0 : i32
    %c0_i32_0 = arith.constant 0 : i32
    return %arg0, %c0_i32 : i32, i32
  }
  func.func @transform_1(%arg0: i32) -> (i32, i32) {
    %c0_i32 = arith.constant 0 : i32
    %c0_i32_0 = arith.constant 0 : i32
    return %arg0, %c0_i32 : i32, i32
  }
  func.func @transform_2(%arg0: i32) -> (i32, i32) {
    %c0_i32 = arith.constant 0 : i32
    %c0_i32_0 = arith.constant 0 : i32
    return %arg0, %c0_i32 : i32, i32
  }
  func.func @transform_3(%arg0: i32) -> (i32, i32) {
    %c0_i32 = arith.constant 0 : i32
    %c0_i32_0 = arith.constant 0 : i32
    return %arg0, %c0_i32 : i32, i32
  }
  func.func @transform_4(%arg0: i32) -> i32 {
    %c0_i32 = arith.constant 0 : i32
    return %arg0 : i32
  }
}

</mosaic_0001>

<sc_bundles>
// kernel: kernel.4.cloned.1.call-start
scs
__scs_entry_jumppad:
0x0: {  	(pc) =	sbr.rel $0x88, $3  }
0x1: {  	(tag) =	ssettag $0x0;
	lr =	simm.s32 $0x1  }
0x2: {  	[smem:$0x3F9D] =	sst lr;
	_ =	strace $0xD0000000  }
0x3: {  	_ = 	snop  }
0x4: {  	_ = 	snop  }
0x5: {  	_ = 	snop  }
0x6: {  	_ = 	snop  }
0x7: {  	_ = 	snop  }
__scs_overlays_trampoline_lowered:
0x8: {  	[smem:$0x3FAC] =	sst s0  }
0x9: {  	[smem:$0x3FAD] =	sst s1  }
0xa: {  	[smem:$0x3FAE] =	sst s2  }
0xb: {  	[smem:$0x3FAF] =	sst s3  }
0xc: {  	[smem:$0x3FB0] =	sst s4  }
0xd: {  	[smem:$0x3FB1] =	sst s5  }
0xe: {  	[smem:$0x3FB2] =	sst s6  }
0xf: {  	[smem:$0x3FB3] =	sst s7  }
0x10: {  	[smem:$0x3FB4] =	sst s8  }
0x11: {  	[smem:$0x3FB5] =	sst s9;
	s0 =	simm.s32 @!p0 $0x0  }
0x12: {  	s1 =	sld [smem:$0x3F9B];
	s0 =	simm.s32 @p0 $0x1  }
0x13: {  	[smem:$0x3FB6] =	sst s0;
	s0 =	simm.s32 @!p1 $0x0  }
0x14: {  	s2 =	sld [smem:$0x3F9A];
	s0 =	simm.s32 @p1 $0x1  }
0x15: {  	[smem:$0x3FB7] =	sst s0;
	s0 =	simm.s32 @!p2 $0x0  }
0x16: {  	s3 =	sld [smem:$0x3FDB];
	s0 =	simm.s32 @p2 $0x1  }
0x17: {  	s4 =	simm.s32 $0x1BF5;
	[smem:$0x3FB9] =	sst s0  }
0x18: {  	s0 =	sld [smem:$0x3F9C];
	_ =	swait.ge [sflag:s4], $0x0  }
0x19: {  	s7 =	sld [smem:$0x3F9D]  }
0x1a: {  	s8 =	sadd.s32 $0xFFFFE003, lr  }
0x1b: {  	s9 =	sadd.s32 $0xFFFFFEF7, lr;
	s5 =	simm.s32 $0xFFFFFFFF;
	p2 =	slt.u32 s8, $0xFFFFF086  }
0x1c: {  	p1 =	slt.u32 s9, $0xF7A;
	s5 =	simm.s32 @!p2 $0x0  }
0x1d: {  	s5 =	simm.s32 @p1 $0x1;
	p0 =	seq.s32 s7, s2  }
0x1e: {  	s7 =	smul.u32 @!p0 $0xF7A, s2;
	p2 =	seq.s32 @!p0 s5, $0x0  }
0x1f: {  	s9 =	smul.u32 $0xF7A, s1;
	s8 =	simm.s32 @!p0 $0x1BF5;
	p2 =	por !p2, p0  }
0x20: {  	[sflag:s8] =	ssyncset.s32 @!p0 $0xFFFFF086;
	s6 =	sadd.s32 @!p0 s3, s7;
	s7 =	simm.s32 @!p0 $0x108  }
0x21: {  	s3 =	sadd.s32 s3, s9;
	s6 =	sadd.s32 @!p0 $0x88, s6;
	s7 =	simm.s32 @p2 $0x1082  }
0x22: {  	[simem:s7], [sflag:s8] =	dma.local @!p0 [hbm:s6], $0xF7A  }
0x23: {  	s9 =	sor.u32 $0xD0000000, s2;
	s6 =	simm.s32 $0x108;
	_ =	swait.ge @!p0 [sflag:s8], $0x0  }
0x24: {  	s3 =	sadd.s32 $0x88, s3;
	s6 =	simm.s32 @!p1 $0x1082;
	[sflag:s4] =	ssyncset.s32 $0xFFFFF086  }
0x25: {  	[simem:s6], [sflag:s4] =	dma.local [hbm:s3], $0xF7A  }
0x26: {  	[smem:$0x3F9D] =	sst s1;
	(tag) =	ssettag s2;
	_ =	strace s9  }
0x27: {  	s1 =	sld [smem:$0x3FAD]  }
0x28: {  	s2 =	sld [smem:$0x3FAE]  }
0x29: {  	s4 =	sld [smem:$0x3FB0]  }
0x2a: {  	p0 =	seq.s32 s5, $0x0;
	s5 =	sld [smem:$0x3FB1]  }
0x2b: {  	s6 =	sld [smem:$0x3FB2]  }
0x2c: {  	s7 =	sld [smem:$0x3FB3]  }
0x2d: {  	s3 =	simm.s32 $0x108;
	s8 =	sld [smem:$0x3FB4]  }
0x2e: {  	s3 =	simm.s32 @!p0 $0x1082;
	s9 =	sld [smem:$0x3FB5]  }
0x2f: {  	lr =	sadd.s32 s0, s3;
	s0 =	sld [smem:$0x3FAC]  }
0x30: {  	s3 =	sld [smem:$0x3FAF]  }
0x31: {  	[smem:$0x3FB8] =	sst s10  }
0x32: {  	s10 =	sld [smem:$0x3FB6];
	_ =	sdelay $0x3  }
0x33: {  	p0 =	seq.s32 s10, $0x1;
	s10 =	sld [smem:$0x3FB8];
	_ =	sdelay $0x3  }
0x34: {  	[smem:$0x3FB8] =	sst s10  }
0x35: {  	s10 =	sld [smem:$0x3FB7];
	_ =	sdelay $0x3  }
0x36: {  	p1 =	seq.s32 s10, $0x1;
	s10 =	sld [smem:$0x3FB8];
	_ =	sdelay $0x3  }
0x37: {  	[smem:$0x3FB8] =	sst s10  }
0x38: {  	s10 =	sld [smem:$0x3FB9]  }
0x39: {  	_ = 	snop;
	(pc) =	sbr.ind lr, $3  }
0x3a: {  	_ = 	snop  }
0x3b: {  	_ = 	snop  }
0x3c: {  	p2 =	seq.s32 s10, $0x1;
	s10 =	sld [smem:$0x3FB8]  }
0x3d: {  	_ =	shalt  }
0x3e: {  	_ =	shalt  }
0x3f: {  	_ =	shalt  }
0x40: {  	_ =	shalt  }
0x41: {  	_ =	shalt  }
0x42: {  	_ =	shalt  }
0x43: {  	_ =	shalt  }
0x44: {  	_ =	shalt  }
0x45: {  	_ =	shalt  }
0x46: {  	_ =	shalt  }
0x47: {  	_ =	shalt  }
0x48: {  	_ =	shalt  }
0x49: {  	_ =	shalt  }
0x4a: {  	_ =	shalt  }
0x4b: {  	_ =	shalt  }
0x4c: {  	_ =	shalt  }
0x4d: {  	_ =	shalt  }
0x4e: {  	_ =	shalt  }
0x4f: {  	_ =	shalt  }
0x50: {  	_ =	shalt  }
0x51: {  	_ =	shalt  }
0x52: {  	_ =	shalt  }
0x53: {  	_ =	shalt  }
0x54: {  	_ =	shalt  }
0x55: {  	_ =	shalt  }
0x56: {  	_ =	shalt  }
0x57: {  	_ =	shalt  }
0x58: {  	_ =	shalt  }
0x59: {  	_ =	shalt  }
0x5a: {  	_ =	shalt  }
0x5b: {  	_ =	shalt  }
0x5c: {  	_ =	shalt  }
0x5d: {  	_ =	shalt  }
0x5e: {  	_ =	shalt  }
0x5f: {  	_ =	shalt  }
0x60: {  	_ =	shalt  }
0x61: {  	_ =	shalt  }
0x62: {  	_ =	shalt  }
0x63: {  	_ =	shalt  }
0x64: {  	_ =	shalt  }
0x65: {  	_ =	shalt  }
0x66: {  	_ =	shalt  }
0x67: {  	_ =	shalt  }
0x68: {  	_ =	shalt  }
0x69: {  	_ =	shalt  }
0x6a: {  	_ =	shalt  }
0x6b: {  	_ =	shalt  }
0x6c: {  	_ =	shalt  }
0x6d: {  	_ =	shalt  }
0x6e: {  	_ =	shalt  }
0x6f: {  	_ =	shalt  }
0x70: {  	_ =	shalt  }
0x71: {  	_ =	shalt  }
0x72: {  	_ =	shalt  }
0x73: {  	_ =	shalt  }
0x74: {  	_ =	shalt  }
0x75: {  	_ =	shalt  }
0x76: {  	_ =	shalt  }
0x77: {  	_ =	shalt  }
0x78: {  	_ =	shalt  }
0x79: {  	_ =	shalt  }
0x7a: {  	_ =	shalt  }
0x7b: {  	_ =	shalt  }
0x7c: {  	_ =	shalt  }
0x7d: {  	_ =	shalt  }
0x7e: {  	_ =	shalt  }
0x7f: {  	_ =	shalt  }
0x80: {  	_ =	shalt  }
0x81: {  	_ =	shalt  }
0x82: {  	_ =	shalt  }
0x83: {  	_ =	shalt  }
0x84: {  	_ =	shalt  }
0x85: {  	_ =	shalt  }
0x86: {  	_ =	shalt  }
0x87: {  	_ =	shalt  }
.Lfunc_end0:
.L_simem_size_0:
called_computation_lowered:
.L_overlay_start_0:
0x88: {  	s2 =	sld [smem:$0x3FD9]  }
0x89: {  	s3 =	sld [smem:$0x3FFE];
	_ =	sdelay $0x1  }
0x8a: {  	s1 =	srdreg.scid  }
0x8b: {  	s0 =	sand.u32 $0x1, s1  }
0x8c: {  	s16 =	sshll.u32 s0, $0xA;
	s2 =	sadd.s32 s3, s2  }
0x8d: {  	s2 =	sadd.s32 s2, s16  }
0x8e: {  	[smem:$0x3FC4] =	sst s2  }
0x8f: {  	_ = 	snop  }
0x90: {  	(tm) =	ssettm $0x1  }
0x91: {  	s17 =	sld [smem:$0x3FFB];
	_ =	sdelay $0x3  }
0x92: {  	_ =	strace s17  }
0x93: {  	s2 =	sld [smem:$0x3FFC];
	_ =	sdelay $0x3  }
0x94: {  	_ =	strace s2  }
0x95: {  	s2 =	sld [smem:$0x3FFD];
	_ =	sdelay $0x3  }
0x96: {  	_ =	strace s2  }
0x97: {  	_ =	strace $0x8FFFFFFF  }
0x98: {  	s18 =	sld [smem:$0x3FDB];
	_ =	sdelay $0x1  }
0x99: {  	s19 =	simm.s32 $_scs_section_size  }
0x9a: {  	s4 =	simm.s32 $_size__tile_overlayer_lowered;
	s5 =	simm.s32 $_tile_overlayer_lowered  }
0x9b: {  	s22 =	simm.s32 $0x1BFF;
	s21 =	sshll.u32 s5, $0x1;
	s2 =	sadd.s32 s19, s18  }
0x9c: {  	s6 =	simm.s32 $0x0;
	s20 =	sshll.u32 s4, $0x1;
	s4 =	sadd.s32 s21, s2  }
0x9d: {  	[timem:s6], [sflag:s22] =	dma.local [hbm:s4], s20  }
0x9e: {  	_ =	swait.ge [sflag:s22], s20  }
0x9f: {  	s3 =	ssub.s32 $0x0, s20;
	[sflag:s22] =	ssyncset.done $0x0  }
0xa0: {  	[sflag:s22] =	ssyncadd.s32 s3;
	_ =	sdelay $0x1  }
0xa1: {  	s23 =	simm.s32 $0x1B8B  }
0xa2: {  	_ =	swait.ge [sflag:s23], $0x1  }
0xa3: {  	[sflag:s23] =	ssyncset.done $0x0  }
0xa4: {  	s25 =	simm.s32 $0x1B8E;
	s24 =	sld [smem:$0x3FFE];
	[sflag:s23] =	ssyncadd.s32 $0xFFFFFFFF  }
0xa5: {  	s26 =	simm.s32 $execute0_lowered;
	[smem:$0x3FD2] =	sst s25  }
0xa6: {  	s4 =	sshll.u32 s26, $0x1;
	_ =	strace $0x80000046;
	[dreg:$0x1] =	wrdreg $0xFFFFFFFF  }
0xa7: {  	s28 =	simm.s32 $_size_execute0_lowered;
	s2 =	sadd.s32 s2, s4;
	[dreg:$0x0] =	wrdreg $0x0  }
0xa8: {  	s4 =	sshll.u32 s28, $0x1;
	[dreg:$0x2] =	wrdreg s2  }
0xa9: {  	[dreg:$0x3] =	wrdreg s4  }
0xaa: {  	[dreg:$0x4] =	wrdreg $0xC0  }
0xab: {  	_ =	task [dreg:s6], $0x5FFFF  }
0xac: {  	[dreg:$0x1] =	wrdreg $0xFFFFFFFF  }
0xad: {  	[dreg:$0x0] =	wrdreg $0x60  }
0xae: {  	[dreg:$0x2] =	wrdreg s24  }
0xaf: {  	[dreg:$0x3] =	wrdreg $0x9  }
0xb0: {  	_ =	task.clear_ibuf [dreg:s6], $0x4FFFF;
	_ =	strace $0x90000046  }
0xb1: {  	s29 =	simm.s32 $0x9;
	_ =	strace $0x80000048  }
0xb2: {  	_ =	swait.ge [sflag:s29], $0x1  }
0xb3: {  	[sflag:s29] =	ssyncadd.s32 $0xFFFFFFFF  }
0xb4: {  	_ =	strace $0x90000048  }
0xb5: {  	_ =	sfence  }
0xb6: {  	s30 =	sld [smem:$0x0];
	_ =	sdelay $0x2  }
0xb7: {  	s31 =	sshll.u32 s1, $0xD;
	s1 =	sshrl.u32 s1, $0x2  }
0xb8: {  	s3 =	sand.u32 $0x4000, s31;
	s1 =	sadd.s32 s1, s30  }
0xb9: {  	s0 =	sor.u32 s3, s0;
	s1 =	sshll.u32 s1, $0x11  }
0xba: {  	s0 =	sor.u32 s1, s0  }
0xbb: {  	s0 =	sadd.s32 $0x8F2B, s0  }
0xbc: {  	[sflag:s0] =	ssyncadd.remote.s32 $0x1  }
0xbd: {  	_ =	sfence.sel $0xFFFF  }
0xbe: {  	[dreg:$0x0] =	wrdreg $0xFFFFFFFF;
	(pc) =	sbr.abs _section_cstart, $3  }
0xbf: {  	[dreg:$0x1] =	wrdreg $0xFFFFFFFF  }
0xc0: {  	_ =	task.clear_ibuf [dreg:s6], $0x2FFFF;
	_ =	strace $0x9FFFFFFF  }
0xc1: {  	(tm) =	ssettm $0x7FFFFFFF  }
tec
execute0_lowered:
.L_overlay_start_1:
0x0: {  	(tag) =	ssettag $0x1  }
0x1: {  	s1 =	srdreg.scid  }
0x2: {  	s0 =	stileid.u32;
	s17 =	sand.u32 $0x1, s1  }
0x3: {  	s29 =	sshll.u32 s0, $0xA;
	s2 =	sshll.u32 s17, $0x9  }
0x4: {  	s15 =	rddreg [dreg:$0x0];
	s14 =	sor.u32 s2, s29  }
0x5: {  	s1 =	rddreg [dreg:$0x1];
	s2 =	simm.s32 $0x0;
	s3 =	sshrl.u32 s14, $0x3  }
0x6: {  	[smem:$0x7FF] =	sst s2;
	s5 =	sadd.s32 s3, s15  }
0x7: {  	_ =	strace $0x80000047;
	s3 =	simm.s32 $0x3;
	s4 =	sadd.s32 $0x2600, s5  }
0x8: {  	[tilespmem:s2], [sflag:$0x3] =	stream.linear.gather [hbm4b:s4+s2], $0x200, $0x38;
	[tilespmem:$0x10400] =	vst v63  }
0x9: {  	_ =	swait.ge [sflag:s3], $0x200  }
0xa: {  	[sflag:s3] =	ssyncset.done $0x0  }
0xb: {  	s6 =	simm.s32 $0x200;
	s5 =	sadd.s32 $0x1E00, s5;
	[sflag:s3] =	ssyncadd.s32 $0xFFFFFE00  }
0xc: {  	[tilespmem:s6], [sflag:$0x3] =	stream.linear.gather [hbm4b:s5+s2], $0x200, $0x38;
	[tilespmem:$0x10400] =	vst v63  }
0xd: {  	_ =	swait.ge [sflag:s3], $0x200  }
0xe: {  	s8 =	simm.s32 $0x100;
	[sflag:s3] =	ssyncset.done $0x0  }
0xf: {  	s9 =	simm.s32 $0x400;
	s7 =	sadd.s32 $0xF43A00, s15;
	[sflag:s3] =	ssyncadd.s32 $0xFFFFFE00  }
0x10: {  	[tilespmem:s9], [sflag:$0x1] =	stream.indirect.gather [hbm4b:s7+s8], $0x80, s2, s8, $0xb8;
	[tilespmem:$0x10400] =	vst v63  }
0x11: {  	s11 =	simm.s32 $0x8400;
	s12 =	simm.s32 $0x1;
	s10 =	sadd.s32 $0x1314400, s15  }
0x12: {  	[tilespmem:s11], [sflag:$0x2] =	stream.indirect.gather [hbm4b:s10+s8], $0x80, s6, s8, $0xb8;
	[tilespmem:$0x10400] =	vst v63  }
0x13: {  	_ =	swait.ge [sflag:s12], $0x8000  }
0x14: {  	[sflag:s12] =	ssyncset.done $0x0  }
0x15: {  	s13 =	simm.s32 $0x2;
	[sflag:s12] =	ssyncadd.s32 $0xFFFF8000  }
0x16: {  	_ =	swait.ge [sflag:s13], $0x8000  }
0x17: {  	s18 =	sadd.s32 $0x2E00, s15;
	s19 =	sshll.u32 s14, $0x4;
	[sflag:s13] =	ssyncset.done $0x0  }
0x18: {  	s14 =	sadd.s32 s18, s19;
	[sflag:s13] =	ssyncadd.s32 $0xFFFF8000  }
0x19: {  	[hbm4b:s14+s2] =	stream.linear.scatter [tilespmem:s9], [sflag:$0x3], $0x8000, $0x38;
	[tilespmem:$0x10400] =	vst v63  }
0x1a: {  	_ =	swait.ge [sflag:s3], $0x8000  }
0x1b: {  	s20 =	sadd.s32 $0x42E00, s15;
	[sflag:s3] =	ssyncset.done $0x0  }
0x1c: {  	s15 =	sadd.s32 s20, s19;
	[sflag:s3] =	ssyncadd.s32 $0xFFFF8000  }
0x1d: {  	[hbm4b:s15+s2] =	stream.linear.scatter [tilespmem:s11], [sflag:$0x3], $0x8000, $0x38;
	[tilespmem:$0x10400] =	vst v63  }
0x1e: {  	_ =	swait.ge [sflag:s3], $0x8000  }
0x1f: {  	[sflag:s3] =	ssyncset.done $0x0  }
0x20: {  	[sflag:s3] =	ssyncadd.s32 $0xFFFF8000  }
0x21: {  	[tilespmem:s9], [sflag:$0x1] =	stream.indirect.gather [hbm4b:s7+s8], $0x80, s8, s8, $0xb8;
	[tilespmem:$0x10400] =	vst v63  }
0x22: {  	s16 =	simm.s32 $0x300  }
0x23: {  	[tilespmem:s11], [sflag:$0x2] =	stream.indirect.gather [hbm4b:s10+s8], $0x80, s16, s8, $0xb8;
	[tilespmem:$0x10400] =	vst v63  }
0x24: {  	_ =	swait.ge [sflag:s12], $0x8000  }
0x25: {  	[sflag:s12] =	ssyncset.done $0x0  }
0x26: {  	s21 =	ssub.s32 $0x2, s17;
	[sflag:s12] =	ssyncadd.s32 $0xFFFF8000  }
0x27: {  	s30 =	sshrl.u32 s21, $0x1;
	_ =	swait.ge [sflag:s13], $0x8000  }
0x28: {  	s21 =	ssub.s32 s21, s30;
	s19 =	sor.u32 $0x1000, s19;
	[sflag:s13] =	ssyncset.done $0x0  }
0x29: {  	s31 =	smax.u32 s21, $0x1;
	s17 =	sadd.s32 s18, s19;
	[sflag:s13] =	ssyncadd.s32 $0xFFFF8000  }
0x2a: {  	[hbm4b:s17+s2] =	stream.linear.scatter [tilespmem:s9], [sflag:$0x3], $0x8000, $0x38;
	[tilespmem:$0x10400] =	vst v63  }
0x2b: {  	p0 =	sne.s32 s31, $0x1;
	_ =	swait.ge [sflag:s3], $0x8000  }
.Ltmp0:
0x2c: {  	[sflag:s3] =	ssyncset.done $0x0;
	(pc) =	sbr.rel @!p0 .LBB2_2-.Ltmp0, $4  }
0x2d: {  	s18 =	sadd.s32 s20, s19;
	[sflag:s3] =	ssyncadd.s32 $0xFFFF8000  }
0x2e: {  	[hbm4b:s18+s2] =	stream.linear.scatter [tilespmem:s11], [sflag:$0x3], $0x8000, $0x38;
	[tilespmem:$0x10400] =	vst v63  }
0x2f: {  	_ =	swait.ge [sflag:s3], $0x8000  }
0x30: {  	s19 =	sadd.s32 $0xFFFFFFFF, s31;
	[sflag:s3] =	ssyncset.done $0x0  }
.LBB2_1:
0x31: {  	p0 =	sne.s32 s19, $0x1;
	s19 =	sadd.s32 $0xFFFFFFFF, s19;
	[sflag:s3] =	ssyncadd.s32 $0xFFFF8000  }
0x32: {  	[tilespmem:s2], [sflag:$0x3] =	stream.linear.gather [hbm4b:s4+s2], $0x200, $0x38;
	[tilespmem:$0x10400] =	vst v63  }
0x33: {  	_ =	swait.ge [sflag:s3], $0x200  }
0x34: {  	[sflag:s3] =	ssyncset.done $0x0  }
0x35: {  	[sflag:s3] =	ssyncadd.s32 $0xFFFFFE00  }
0x36: {  	[tilespmem:s6], [sflag:$0x3] =	stream.linear.gather [hbm4b:s5+s2], $0x200, $0x38;
	[tilespmem:$0x10400] =	vst v63  }
0x37: {  	_ =	swait.ge [sflag:s3], $0x200  }
0x38: {  	[sflag:s3] =	ssyncset.done $0x0  }
0x39: {  	[sflag:s3] =	ssyncadd.s32 $0xFFFFFE00  }
0x3a: {  	[tilespmem:s9], [sflag:$0x1] =	stream.indirect.gather [hbm4b:s7+s8], $0x80, s2, s8, $0xb8;
	[tilespmem:$0x10400] =	vst v63  }
0x3b: {  	_ = 	snop  }
0x3c: {  	[tilespmem:s11], [sflag:$0x2] =	stream.indirect.gather [hbm4b:s10+s8], $0x80, s6, s8, $0xb8;
	[tilespmem:$0x10400] =	vst v63  }
0x3d: {  	_ =	swait.ge [sflag:s12], $0x8000  }
0x3e: {  	[sflag:s12] =	ssyncset.done $0x0  }
0x3f: {  	[sflag:s12] =	ssyncadd.s32 $0xFFFF8000  }
0x40: {  	_ =	swait.ge [sflag:s13], $0x8000  }
0x41: {  	[sflag:s13] =	ssyncset.done $0x0  }
0x42: {  	[sflag:s13] =	ssyncadd.s32 $0xFFFF8000  }
0x43: {  	[hbm4b:s14+s2] =	stream.linear.scatter [tilespmem:s9], [sflag:$0x3], $0x8000, $0x38;
	[tilespmem:$0x10400] =	vst v63  }
0x44: {  	_ =	swait.ge [sflag:s3], $0x8000  }
0x45: {  	[sflag:s3] =	ssyncset.done $0x0  }
0x46: {  	[sflag:s3] =	ssyncadd.s32 $0xFFFF8000  }
0x47: {  	[hbm4b:s15+s2] =	stream.linear.scatter [tilespmem:s11], [sflag:$0x3], $0x8000, $0x38;
	[tilespmem:$0x10400] =	vst v63  }
0x48: {  	_ =	swait.ge [sflag:s3], $0x8000  }
0x49: {  	[sflag:s3] =	ssyncset.done $0x0  }
0x4a: {  	[sflag:s3] =	ssyncadd.s32 $0xFFFF8000  }
0x4b: {  	[tilespmem:s9], [sflag:$0x1] =	stream.indirect.gather [hbm4b:s7+s8], $0x80, s8, s8, $0xb8;
	[tilespmem:$0x10400] =	vst v63  }
0x4c: {  	_ = 	snop  }
0x4d: {  	[tilespmem:s11], [sflag:$0x2] =	stream.indirect.gather [hbm4b:s10+s8], $0x80, s16, s8, $0xb8;
	[tilespmem:$0x10400] =	vst v63  }
0x4e: {  	_ =	swait.ge [sflag:s12], $0x8000  }
0x4f: {  	[sflag:s12] =	ssyncset.done $0x0  }
0x50: {  	[sflag:s12] =	ssyncadd.s32 $0xFFFF8000  }
0x51: {  	_ =	swait.ge [sflag:s13], $0x8000  }
0x52: {  	[sflag:s13] =	ssyncset.done $0x0  }
0x53: {  	[sflag:s13] =	ssyncadd.s32 $0xFFFF8000  }
0x54: {  	[hbm4b:s17+s2] =	stream.linear.scatter [tilespmem:s9], [sflag:$0x3], $0x8000, $0x38;
	[tilespmem:$0x10400] =	vst v63  }
0x55: {  	_ =	swait.ge [sflag:s3], $0x8000  }
.Ltmp1:
0x56: {  	[sflag:s3] =	ssyncset.done $0x0;
	(pc) =	sbr.rel @p0 .LBB2_1-.Ltmp1, $4  }
0x57: {  	[sflag:s3] =	ssyncadd.s32 $0xFFFF8000  }
0x58: {  	[hbm4b:s18+s2] =	stream.linear.scatter [tilespmem:s11], [sflag:$0x3], $0x8000, $0x38;
	[tilespmem:$0x10400] =	vst v63  }
0x59: {  	_ =	swait.ge [sflag:s3], $0x8000  }
0x5a: {  	[sflag:s3] =	ssyncset.done $0x0  }
.LBB2_2:
0x5b: {  	[sflag:s3] =	ssyncadd.s32 $0xFFFF8000  }
0x5c: {  	_ =	sfence.sel $0x180000  }
0x5d: {  	[bflag:$0x0] =	sbarrier.arrive $0xFFFF  }
0x5e: {  	p0 =	sne.s32 s0, $0x0;
	_ =	strace $0x90000047  }
0x5f: {  	s0 =	sadd.s32 @!p0 $0x100000, s1;
	[bflag:$0x2] =	sbarrier.arrive $0xFFFF  }
0x60: {  	[sflag:s0] =	ssyncadd.tile.s32 @!p0 $0x1;
	_ =	shalt  }
.Lfunc_end2:
_tile_overlayer_lowered:
.L_overlay_start_2:
0x61: {  	(tag) =	ssettag $0x2  }
0x62: {  	s0 =	rddreg [dreg:$0x0];
	s2 =	stileid.u32  }
0x63: {  	s1 =	rddreg [dreg:$0x1];
	p0 =	sne.s32 s2, $0x0  }
0x64: {  	s3 =	rddreg [dreg:$0x2];
	[bflag:$0x3] =	sbarrier.arrive $0xFFFF;
	s2 =	simm.s32 @!p0 $0x1C03  }
0x65: {  	[timem:s3], [sflag:s2] =	dma.local @!p0 [hbm:s0], s1  }
0x66: {  	s0 =	simm.s32 @!p0 $0x3  }
0x67: {  	_ =	swait.ge @!p0 [sflag:s0], s1  }
0x68: {  	s1 =	ssub.s32 @!p0 $0x0, s1;
	[sflag:s0] =	ssyncset.done @!p0 $0x0  }
0x69: {  	[sflag:s0] =	ssyncadd.s32 @!p0 s1  }
0x6a: {  	[bflag:$0x3] =	sbarrier.arrive $0xFFFF  }
0x6b: {  	_ =	shalt  }

</sc_bundles>
